<compile_context>
chip_gen: v7x
topology: tpu7x:2x2x1
jax: 0.10.2.dev20260603
libtpu: 0.0.44.dev20260713+nightly
codegen_flags: <defaults>
</compile_context>

<pallas_src>
import functools

import jax
import jax.numpy as jnp
from jax import lax
from jax.experimental import pallas as pl
from jax.experimental.pallas import tpu as pltpu
from jax.experimental.pallas import tpu_sc as plsc

EMBED_DIM = 128
MAX_TIMESTEPS = 1000
VPAD = 1024
BATCH = 16384

_info = plsc.get_sparse_core_info()
_NC, _NS = _info.num_cores, _info.num_subcores
_NW = _NC * _NS
_B_PER_W = BATCH // _NW
_ROWS_PER_TILE = VPAD // _NS

_mesh = plsc.VectorSubcoreMesh(core_axis_name="c", subcore_axis_name="s")

_SIZES = (64, 128, 128, 128, 64)
_OFFS = (0, 64, 192, 320, 448)
_NCHUNK = len(_SIZES)


@functools.partial(
    pl.kernel,
    mesh=_mesh,
    out_type=jax.ShapeDtypeStruct((BATCH, EMBED_DIM), jnp.float32),
    scratch_types=[
        pltpu.VMEM_SHARED((VPAD, EMBED_DIM), jnp.float32),
        pltpu.VMEM((_B_PER_W,), jnp.int32),
        [pltpu.VMEM((s, EMBED_DIM), jnp.float32) for s in _SIZES],
        pltpu.SemaphoreType.DMA,
        pltpu.SemaphoreType.DMA,
        pltpu.SemaphoreType.DMA,
        pltpu.SemaphoreType.DMA,
        pltpu.SemaphoreType.DMA,
    ],
)
def _gather_kernel(
    ts_hbm, pe_hbm, out_hbm, pe_sh, idx_v, bufs, gsem, wsem, ssem, isem, hsem
):
    cid = lax.axis_index("c")
    sid = lax.axis_index("s")
    wid = sid * _NC + cid
    base = wid * _B_PER_W

    idx0 = pltpu.async_copy(
        ts_hbm.at[pl.ds(base, _SIZES[0])], idx_v.at[pl.ds(0, _SIZES[0])], isem
    )
    idx_rest = [
        pltpu.async_copy(
            ts_hbm.at[pl.ds(base + _OFFS[i], _SIZES[i])],
            idx_v.at[pl.ds(_OFFS[i], _SIZES[i])],
            wsem,
        )
        for i in range(1, _NCHUNK)
    ]
    stage = pltpu.async_copy(
        pe_hbm.at[pl.ds(sid * _ROWS_PER_TILE, _ROWS_PER_TILE)],
        pe_sh.at[pl.ds(sid * _ROWS_PER_TILE, _ROWS_PER_TILE)],
        ssem,
    )
    idx0.wait()
    gathers = [
        pltpu.async_copy(
            pe_hbm.at[idx_v.at[pl.ds(0, _SIZES[0])]], bufs[0], hsem
        )
    ]
    for c in idx_rest:
        c.wait()
    stage.wait()
    plsc.subcore_barrier()
    gathers += [
        pltpu.async_copy(
            pe_sh.at[idx_v.at[pl.ds(_OFFS[i], _SIZES[i])]], bufs[i], gsem
        )
        for i in range(1, _NCHUNK)
    ]
    writes = []
    for i in range(_NCHUNK):
        gathers[i].wait()
        writes.append(
            pltpu.async_copy(
                bufs[i], out_hbm.at[pl.ds(base + _OFFS[i], _SIZES[i])], wsem
            )
        )
    for w in writes:
        w.wait()


def kernel(timesteps, pe):
    pe_padded = jnp.zeros((VPAD, EMBED_DIM), jnp.float32).at[:MAX_TIMESTEPS].set(pe)
    return _gather_kernel(timesteps.astype(jnp.int32), pe_padded)

# --- scband reference (transcript-rebuilt; emitter-appended) ---
"""Pipeline reference for scband-position-encoder-59751585022107 (READ-ONLY COPY).

The authoritative reference and input builder live on the scoring server;
editing this copy changes nothing except your own understanding.
"""

import jax, jax.numpy as jnp
import numpy as np

EMBED_DIM = 128
MAX_TIMESTEPS = 1000
BATCH = 16384

def _build_pe():
    even_indices = jnp.arange(0, EMBED_DIM, 2).astype(jnp.float32)
    timesteps = jnp.arange(0, MAX_TIMESTEPS).astype(jnp.float32)[:, None]
    log_term = jnp.log(jnp.array(10000.0, dtype=jnp.float32)) / EMBED_DIM
    div = jnp.exp(even_indices * -log_term)
    pe = jnp.zeros((MAX_TIMESTEPS, EMBED_DIM), dtype=jnp.float32)
    pe = pe.at[:, 0::2].set(jnp.sin(timesteps * div))
    pe = pe.at[:, 1::2].set(jnp.cos(timesteps * div))
    return pe

def setup_inputs(seed: int = 0) -> dict:
    key = jax.random.key(seed)
    timesteps = jax.random.randint(key, (BATCH,), 0, MAX_TIMESTEPS, dtype=jnp.int64 if jax.config.jax_enable_x64 else jnp.int32)
    pe = _build_pe()
    return {"timesteps": timesteps, "pe": pe}

def reference(timesteps, pe):
    # Faithful translation of forward: x = self.pe[timesteps]
    x = jnp.take(pe, timesteps, axis=0)
    return x

if __name__ == "__main__":
    import jax
    _d = setup_inputs()
    print(jax.jit(kernel)(*tuple(_d.values())))

</pallas_src>

<mosaic_0001>
#map = affine_map<(d0, d1) -> (0)>
#map1 = affine_map<(d0, d1) -> (0, 0)>
module attributes {stable_mosaic.version = 14 : i64} {
  func.func @_gather_kernel(%arg0: i32, %arg1: i32, %arg2: memref<16384xi32, #tpu.memory_space<hbm>>, %arg3: memref<1024x128xf32, #tpu.memory_space<hbm>>, %arg4: memref<16384x128xf32, #tpu.memory_space<hbm>>, %arg5: memref<1024x128xf32, #tpu.memory_space<vmem_shared>>, %arg6: memref<512xi32, #tpu.memory_space<vmem>>, %arg7: memref<64x128xf32, #tpu.memory_space<vmem>>, %arg8: memref<128x128xf32, #tpu.memory_space<vmem>>, %arg9: memref<128x128xf32, #tpu.memory_space<vmem>>, %arg10: memref<128x128xf32, #tpu.memory_space<vmem>>, %arg11: memref<64x128xf32, #tpu.memory_space<vmem>>, %arg12: memref<!tpu.dma_semaphore, #tpu.memory_space<semaphore_mem>>, %arg13: memref<!tpu.dma_semaphore, #tpu.memory_space<semaphore_mem>>, %arg14: memref<!tpu.dma_semaphore, #tpu.memory_space<semaphore_mem>>, %arg15: memref<!tpu.dma_semaphore, #tpu.memory_space<semaphore_mem>>, %arg16: memref<!tpu.dma_semaphore, #tpu.memory_space<semaphore_mem>>) attributes {dimension_semantics = [#tpu.dimension_semantics<core_parallel>, #tpu.dimension_semantics<subcore_parallel>], iteration_bounds = array<i64: 2, 16>, scalar_prefetch = 0 : i64, scratch_operands = 12 : i64, tpu.core_type = #tpu.core_type<sc_vector_subcore>, window_params = [{transform_indices = #map}, {transform_indices = #map1}, {transform_indices = #map1}]} {
    %mul3A = arith.constant 2 : i32
    %mul3A_0 = arith.muli %arg1, %mul3A : i32
    %add3A = arith.addi %mul3A_0, %arg0 : i32
    %mul3A_1 = arith.constant 512 : i32
    %mul3A_2 = arith.muli %add3A, %mul3A_1 : i32
    %dma_start3A = arith.constant 0 : i32
    %dma_start3A_3 = tpu.memref_slice %arg6[%dma_start3A] : memref<512xi32, #tpu.memory_space<vmem>> -> memref<64xi32, #tpu.memory_space<vmem>>
    %dma_start3A_4 = tpu.memref_slice %arg2[%mul3A_2] : memref<16384xi32, #tpu.memory_space<hbm>> -> memref<64xi32, #tpu.memory_space<hbm>>
    %dma_start3A_5 = arith.constant 0 : i32
    %dma_start3A_6 = tpu.memref_slice %arg6[%dma_start3A_5] : memref<512xi32, #tpu.memory_space<vmem>> -> memref<64xi32, #tpu.memory_space<vmem>>
    %dma_start3A_7 = tpu.memref_slice %arg2[%mul3A_2] : memref<16384xi32, #tpu.memory_space<hbm>> -> memref<64xi32, #tpu.memory_space<hbm>>
    tpu.enqueue_dma source(%dma_start3A_7 : memref<64xi32, #tpu.memory_space<hbm>>) target(%dma_start3A_6 : memref<64xi32, #tpu.memory_space<vmem>>) target_semaphore(%arg15 : memref<!tpu.dma_semaphore, #tpu.memory_space<semaphore_mem>>)
    %add3A_8 = arith.constant 64 : i32
    %add3A_9 = arith.addi %mul3A_2, %add3A_8 : i32
    %dma_start3A_10 = arith.constant 64 : i32
    %dma_start3A_11 = tpu.memref_slice %arg6[%dma_start3A_10] : memref<512xi32, #tpu.memory_space<vmem>> -> memref<128xi32, #tpu.memory_space<vmem>>
    %dma_start3A_12 = tpu.memref_slice %arg2[%add3A_9] : memref<16384xi32, #tpu.memory_space<hbm>> -> memref<128xi32, #tpu.memory_space<hbm>>
    %dma_start3A_13 = arith.constant 64 : i32
    %dma_start3A_14 = tpu.memref_slice %arg6[%dma_start3A_13] : memref<512xi32, #tpu.memory_space<vmem>> -> memref<128xi32, #tpu.memory_space<vmem>>
    %dma_start3A_15 = tpu.memref_slice %arg2[%add3A_9] : memref<16384xi32, #tpu.memory_space<hbm>> -> memref<128xi32, #tpu.memory_space<hbm>>
    tpu.enqueue_dma source(%dma_start3A_15 : memref<128xi32, #tpu.memory_space<hbm>>) target(%dma_start3A_14 : memref<128xi32, #tpu.memory_space<vmem>>) target_semaphore(%arg13 : memref<!tpu.dma_semaphore, #tpu.memory_space<semaphore_mem>>)
    %add3A_16 = arith.constant 192 : i32
    %add3A_17 = arith.addi %mul3A_2, %add3A_16 : i32
    %dma_start3A_18 = arith.constant 192 : i32
    %dma_start3A_19 = tpu.memref_slice %arg6[%dma_start3A_18] : memref<512xi32, #tpu.memory_space<vmem>> -> memref<128xi32, #tpu.memory_space<vmem>>
    %dma_start3A_20 = tpu.memref_slice %arg2[%add3A_17] : memref<16384xi32, #tpu.memory_space<hbm>> -> memref<128xi32, #tpu.memory_space<hbm>>
    %dma_start3A_21 = arith.constant 192 : i32
    %dma_start3A_22 = tpu.memref_slice %arg6[%dma_start3A_21] : memref<512xi32, #tpu.memory_space<vmem>> -> memref<128xi32, #tpu.memory_space<vmem>>
    %dma_start3A_23 = tpu.memref_slice %arg2[%add3A_17] : memref<16384xi32, #tpu.memory_space<hbm>> -> memref<128xi32, #tpu.memory_space<hbm>>
    tpu.enqueue_dma source(%dma_start3A_23 : memref<128xi32, #tpu.memory_space<hbm>>) target(%dma_start3A_22 : memref<128xi32, #tpu.memory_space<vmem>>) target_semaphore(%arg13 : memref<!tpu.dma_semaphore, #tpu.memory_space<semaphore_mem>>)
    %add3A_24 = arith.constant 320 : i32
    %add3A_25 = arith.addi %mul3A_2, %add3A_24 : i32
    %dma_start3A_26 = arith.constant 320 : i32
    %dma_start3A_27 = tpu.memref_slice %arg6[%dma_start3A_26] : memref<512xi32, #tpu.memory_space<vmem>> -> memref<128xi32, #tpu.memory_space<vmem>>
    %dma_start3A_28 = tpu.memref_slice %arg2[%add3A_25] : memref<16384xi32, #tpu.memory_space<hbm>> -> memref<128xi32, #tpu.memory_space<hbm>>
    %dma_start3A_29 = arith.constant 320 : i32
    %dma_start3A_30 = tpu.memref_slice %arg6[%dma_start3A_29] : memref<512xi32, #tpu.memory_space<vmem>> -> memref<128xi32, #tpu.memory_space<vmem>>
    %dma_start3A_31 = tpu.memref_slice %arg2[%add3A_25] : memref<16384xi32, #tpu.memory_space<hbm>> -> memref<128xi32, #tpu.memory_space<hbm>>
    tpu.enqueue_dma source(%dma_start3A_31 : memref<128xi32, #tpu.memory_space<hbm>>) target(%dma_start3A_30 : memref<128xi32, #tpu.memory_space<vmem>>) target_semaphore(%arg13 : memref<!tpu.dma_semaphore, #tpu.memory_space<semaphore_mem>>)
    %add3A_32 = arith.constant 448 : i32
    %add3A_33 = arith.addi %mul3A_2, %add3A_32 : i32
    %dma_start3A_34 = arith.constant 448 : i32
    %dma_start3A_35 = tpu.memref_slice %arg6[%dma_start3A_34] : memref<512xi32, #tpu.memory_space<vmem>> -> memref<64xi32, #tpu.memory_space<vmem>>
    %dma_start3A_36 = tpu.memref_slice %arg2[%add3A_33] : memref<16384xi32, #tpu.memory_space<hbm>> -> memref<64xi32, #tpu.memory_space<hbm>>
    %dma_start3A_37 = arith.constant 448 : i32
    %dma_start3A_38 = tpu.memref_slice %arg6[%dma_start3A_37] : memref<512xi32, #tpu.memory_space<vmem>> -> memref<64xi32, #tpu.memory_space<vmem>>
    %dma_start3A_39 = tpu.memref_slice %arg2[%add3A_33] : memref<16384xi32, #tpu.memory_space<hbm>> -> memref<64xi32, #tpu.memory_space<hbm>>
    tpu.enqueue_dma source(%dma_start3A_39 : memref<64xi32, #tpu.memory_space<hbm>>) target(%dma_start3A_38 : memref<64xi32, #tpu.memory_space<vmem>>) target_semaphore(%arg13 : memref<!tpu.dma_semaphore, #tpu.memory_space<semaphore_mem>>)
    %mul3A_40 = arith.constant 64 : i32
    %mul3A_41 = arith.muli %arg1, %mul3A_40 : i32
    %mul3A_42 = arith.constant 64 : i32
    %mul3A_43 = arith.muli %arg1, %mul3A_42 : i32
    %dma_start3A_44 = arith.constant 0 : i32
    %dma_start3A_45 = tpu.memref_slice %arg5[%mul3A_43, %dma_start3A_44] : memref<1024x128xf32, #tpu.memory_space<vmem_shared>> -> memref<64x128xf32, #tpu.memory_space<vmem_shared>>
    %dma_start3A_46 = arith.constant 0 : i32
    %dma_start3A_47 = tpu.memref_slice %arg3[%mul3A_41, %dma_start3A_46] : memref<1024x128xf32, #tpu.memory_space<hbm>> -> memref<64x128xf32, #tpu.memory_space<hbm>>
    tpu.enqueue_dma source(%dma_start3A_47 : memref<64x128xf32, #tpu.memory_space<hbm>>) target(%dma_start3A_45 : memref<64x128xf32, #tpu.memory_space<vmem_shared>>) target_semaphore(%arg14 : memref<!tpu.dma_semaphore, #tpu.memory_space<semaphore_mem>>)
    %dma_wait3A = arith.constant 0 : i32
    %dma_wait3A_48 = tpu.memref_slice %arg6[%dma_wait3A] : memref<512xi32, #tpu.memory_space<vmem>> -> memref<64xi32, #tpu.memory_space<vmem>>
    %dma_wait3A_49 = tpu.memref_slice %arg2[%mul3A_2] : memref<16384xi32, #tpu.memory_space<hbm>> -> memref<64xi32, #tpu.memory_space<hbm>>
    %dma_wait3A_50 = arith.constant 0 : i32
    %dma_wait3A_51 = tpu.memref_slice %arg6[%dma_wait3A_50] : memref<512xi32, #tpu.memory_space<vmem>> -> memref<64xi32, #tpu.memory_space<vmem>>
    %dma_wait3A_52 = tpu.memref_slice %arg2[%mul3A_2] : memref<16384xi32, #tpu.memory_space<hbm>> -> memref<64xi32, #tpu.memory_space<hbm>>
    tpu.wait_dma2 semaphore(%arg15 : memref<!tpu.dma_semaphore, #tpu.memory_space<semaphore_mem>>) src(%dma_wait3A_52 : memref<64xi32, #tpu.memory_space<hbm>>) dst(%dma_wait3A_51 : memref<64xi32, #tpu.memory_space<vmem>>)
    %dma_start3A_53 = arith.constant 0 : i32
    %dma_start3A_54 = tpu.memref_slice %arg6[%dma_start3A_53] : memref<512xi32, #tpu.memory_space<vmem>> -> memref<64xi32, #tpu.memory_space<vmem>>
    %dma_start3A_55 = arith.constant 0 : i32
    %dma_start3A_56 = arith.constant 0 : i32
    %dma_start3A_57 = tpu.memref_slice %arg3[%dma_start3A_55, %dma_start3A_56] : memref<1024x128xf32, #tpu.memory_space<hbm>> -> memref<1024x128xf32, #tpu.memory_space<hbm>>
    tpu.enqueue_indirect_dma source(%dma_start3A_57 : memref<1024x128xf32, #tpu.memory_space<hbm>>) target(%arg7 : memref<64x128xf32, #tpu.memory_space<vmem>>) offsets(%dma_start3A_54 : memref<64xi32, #tpu.memory_space<vmem>>) semaphore(%arg16 : memref<!tpu.dma_semaphore, #tpu.memory_space<semaphore_mem>>)
    %dma_wait3A_58 = arith.constant 64 : i32
    %dma_wait3A_59 = tpu.memref_slice %arg6[%dma_wait3A_58] : memref<512xi32, #tpu.memory_space<vmem>> -> memref<128xi32, #tpu.memory_space<vmem>>
    %dma_wait3A_60 = tpu.memref_slice %arg2[%add3A_9] : memref<16384xi32, #tpu.memory_space<hbm>> -> memref<128xi32, #tpu.memory_space<hbm>>
    %dma_wait3A_61 = arith.constant 64 : i32
    %dma_wait3A_62 = tpu.memref_slice %arg6[%dma_wait3A_61] : memref<512xi32, #tpu.memory_space<vmem>> -> memref<128xi32, #tpu.memory_space<vmem>>
    %dma_wait3A_63 = tpu.memref_slice %arg2[%add3A_9] : memref<16384xi32, #tpu.memory_space<hbm>> -> memref<128xi32, #tpu.memory_space<hbm>>
    tpu.wait_dma2 semaphore(%arg13 : memref<!tpu.dma_semaphore, #tpu.memory_space<semaphore_mem>>) src(%dma_wait3A_63 : memref<128xi32, #tpu.memory_space<hbm>>) dst(%dma_wait3A_62 : memref<128xi32, #tpu.memory_space<vmem>>)
    %dma_wait3A_64 = arith.constant 192 : i32
    %dma_wait3A_65 = tpu.memref_slice %arg6[%dma_wait3A_64] : memref<512xi32, #tpu.memory_space<vmem>> -> memref<128xi32, #tpu.memory_space<vmem>>
    %dma_wait3A_66 = tpu.memref_slice %arg2[%add3A_17] : memref<16384xi32, #tpu.memory_space<hbm>> -> memref<128xi32, #tpu.memory_space<hbm>>
    %dma_wait3A_67 = arith.constant 192 : i32
    %dma_wait3A_68 = tpu.memref_slice %arg6[%dma_wait3A_67] : memref<512xi32, #tpu.memory_space<vmem>> -> memref<128xi32, #tpu.memory_space<vmem>>
    %dma_wait3A_69 = tpu.memref_slice %arg2[%add3A_17] : memref<16384xi32, #tpu.memory_space<hbm>> -> memref<128xi32, #tpu.memory_space<hbm>>
    tpu.wait_dma2 semaphore(%arg13 : memref<!tpu.dma_semaphore, #tpu.memory_space<semaphore_mem>>) src(%dma_wait3A_69 : memref<128xi32, #tpu.memory_space<hbm>>) dst(%dma_wait3A_68 : memref<128xi32, #tpu.memory_space<vmem>>)
    %dma_wait3A_70 = arith.constant 320 : i32
    %dma_wait3A_71 = tpu.memref_slice %arg6[%dma_wait3A_70] : memref<512xi32, #tpu.memory_space<vmem>> -> memref<128xi32, #tpu.memory_space<vmem>>
    %dma_wait3A_72 = tpu.memref_slice %arg2[%add3A_25] : memref<16384xi32, #tpu.memory_space<hbm>> -> memref<128xi32, #tpu.memory_space<hbm>>
    %dma_wait3A_73 = arith.constant 320 : i32
    %dma_wait3A_74 = tpu.memref_slice %arg6[%dma_wait3A_73] : memref<512xi32, #tpu.memory_space<vmem>> -> memref<128xi32, #tpu.memory_space<vmem>>
    %dma_wait3A_75 = tpu.memref_slice %arg2[%add3A_25] : memref<16384xi32, #tpu.memory_space<hbm>> -> memref<128xi32, #tpu.memory_space<hbm>>
    tpu.wait_dma2 semaphore(%arg13 : memref<!tpu.dma_semaphore, #tpu.memory_space<semaphore_mem>>) src(%dma_wait3A_75 : memref<128xi32, #tpu.memory_space<hbm>>) dst(%dma_wait3A_74 : memref<128xi32, #tpu.memory_space<vmem>>)
    %dma_wait3A_76 = arith.constant 448 : i32
    %dma_wait3A_77 = tpu.memref_slice %arg6[%dma_wait3A_76] : memref<512xi32, #tpu.memory_space<vmem>> -> memref<64xi32, #tpu.memory_space<vmem>>
    %dma_wait3A_78 = tpu.memref_slice %arg2[%add3A_33] : memref<16384xi32, #tpu.memory_space<hbm>> -> memref<64xi32, #tpu.memory_space<hbm>>
    %dma_wait3A_79 = arith.constant 448 : i32
    %dma_wait3A_80 = tpu.memref_slice %arg6[%dma_wait3A_79] : memref<512xi32, #tpu.memory_space<vmem>> -> memref<64xi32, #tpu.memory_space<vmem>>
    %dma_wait3A_81 = tpu.memref_slice %arg2[%add3A_33] : memref<16384xi32, #tpu.memory_space<hbm>> -> memref<64xi32, #tpu.memory_space<hbm>>
    tpu.wait_dma2 semaphore(%arg13 : memref<!tpu.dma_semaphore, #tpu.memory_space<semaphore_mem>>) src(%dma_wait3A_81 : memref<64xi32, #tpu.memory_space<hbm>>) dst(%dma_wait3A_80 : memref<64xi32, #tpu.memory_space<vmem>>)
    %dma_wait3A_82 = arith.constant 0 : i32
    %dma_wait3A_83 = tpu.memref_slice %arg5[%mul3A_43, %dma_wait3A_82] : memref<1024x128xf32, #tpu.memory_space<vmem_shared>> -> memref<64x128xf32, #tpu.memory_space<vmem_shared>>
    %dma_wait3A_84 = arith.constant 0 : i32
    %dma_wait3A_85 = tpu.memref_slice %arg3[%mul3A_41, %dma_wait3A_84] : memref<1024x128xf32, #tpu.memory_space<hbm>> -> memref<64x128xf32, #tpu.memory_space<hbm>>
    tpu.wait_dma2 semaphore(%arg14 : memref<!tpu.dma_semaphore, #tpu.memory_space<semaphore_mem>>) src(%dma_wait3A_85 : memref<64x128xf32, #tpu.memory_space<hbm>>) dst(%dma_wait3A_83 : memref<64x128xf32, #tpu.memory_space<vmem_shared>>)
    %barrier3A = arith.constant 0 : index
    tpu.barrier barrier_id(%barrier3A)
    %dma_start3A_86 = arith.constant 64 : i32
    %dma_start3A_87 = tpu.memref_slice %arg6[%dma_start3A_86] : memref<512xi32, #tpu.memory_space<vmem>> -> memref<128xi32, #tpu.memory_space<vmem>>
    %dma_start3A_88 = arith.constant 0 : i32
    %dma_start3A_89 = arith.constant 0 : i32
    %dma_start3A_90 = tpu.memref_slice %arg5[%dma_start3A_88, %dma_start3A_89] : memref<1024x128xf32, #tpu.memory_space<vmem_shared>> -> memref<1024x128xf32, #tpu.memory_space<vmem_shared>>
    tpu.enqueue_indirect_dma source(%dma_start3A_90 : memref<1024x128xf32, #tpu.memory_space<vmem_shared>>) target(%arg8 : memref<128x128xf32, #tpu.memory_space<vmem>>) offsets(%dma_start3A_87 : memref<128xi32, #tpu.memory_space<vmem>>) semaphore(%arg12 : memref<!tpu.dma_semaphore, #tpu.memory_space<semaphore_mem>>)
    %dma_start3A_91 = arith.constant 192 : i32
    %dma_start3A_92 = tpu.memref_slice %arg6[%dma_start3A_91] : memref<512xi32, #tpu.memory_space<vmem>> -> memref<128xi32, #tpu.memory_space<vmem>>
    %dma_start3A_93 = arith.constant 0 : i32
    %dma_start3A_94 = arith.constant 0 : i32
    %dma_start3A_95 = tpu.memref_slice %arg5[%dma_start3A_93, %dma_start3A_94] : memref<1024x128xf32, #tpu.memory_space<vmem_shared>> -> memref<1024x128xf32, #tpu.memory_space<vmem_shared>>
    tpu.enqueue_indirect_dma source(%dma_start3A_95 : memref<1024x128xf32, #tpu.memory_space<vmem_shared>>) target(%arg9 : memref<128x128xf32, #tpu.memory_space<vmem>>) offsets(%dma_start3A_92 : memref<128xi32, #tpu.memory_space<vmem>>) semaphore(%arg12 : memref<!tpu.dma_semaphore, #tpu.memory_space<semaphore_mem>>)
    %dma_start3A_96 = arith.constant 320 : i32
    %dma_start3A_97 = tpu.memref_slice %arg6[%dma_start3A_96] : memref<512xi32, #tpu.memory_space<vmem>> -> memref<128xi32, #tpu.memory_space<vmem>>
    %dma_start3A_98 = arith.constant 0 : i32
    %dma_start3A_99 = arith.constant 0 : i32
    %dma_start3A_100 = tpu.memref_slice %arg5[%dma_start3A_98, %dma_start3A_99] : memref<1024x128xf32, #tpu.memory_space<vmem_shared>> -> memref<1024x128xf32, #tpu.memory_space<vmem_shared>>
    tpu.enqueue_indirect_dma source(%dma_start3A_100 : memref<1024x128xf32, #tpu.memory_space<vmem_shared>>) target(%arg10 : memref<128x128xf32, #tpu.memory_space<vmem>>) offsets(%dma_start3A_97 : memref<128xi32, #tpu.memory_space<vmem>>) semaphore(%arg12 : memref<!tpu.dma_semaphore, #tpu.memory_space<semaphore_mem>>)
    %dma_start3A_101 = arith.constant 448 : i32
    %dma_start3A_102 = tpu.memref_slice %arg6[%dma_start3A_101] : memref<512xi32, #tpu.memory_space<vmem>> -> memref<64xi32, #tpu.memory_space<vmem>>
    %dma_start3A_103 = arith.constant 0 : i32
    %dma_start3A_104 = arith.constant 0 : i32
    %dma_start3A_105 = tpu.memref_slice %arg5[%dma_start3A_103, %dma_start3A_104] : memref<1024x128xf32, #tpu.memory_space<vmem_shared>> -> memref<1024x128xf32, #tpu.memory_space<vmem_shared>>
    tpu.enqueue_indirect_dma source(%dma_start3A_105 : memref<1024x128xf32, #tpu.memory_space<vmem_shared>>) target(%arg11 : memref<64x128xf32, #tpu.memory_space<vmem>>) offsets(%dma_start3A_102 : memref<64xi32, #tpu.memory_space<vmem>>) semaphore(%arg12 : memref<!tpu.dma_semaphore, #tpu.memory_space<semaphore_mem>>)
    %dma_wait3A_106 = arith.constant 0 : i32
    %dma_wait3A_107 = tpu.memref_slice %arg6[%dma_wait3A_106] : memref<512xi32, #tpu.memory_space<vmem>> -> memref<64xi32, #tpu.memory_space<vmem>>
    %dma_wait3A_108 = arith.constant 0 : i32
    %dma_wait3A_109 = arith.constant 0 : i32
    %dma_wait3A_110 = tpu.memref_slice %arg3[%dma_wait3A_108, %dma_wait3A_109] : memref<1024x128xf32, #tpu.memory_space<hbm>> -> memref<1024x128xf32, #tpu.memory_space<hbm>>
    tpu.wait_indirect_dma semaphore(%arg16 : memref<!tpu.dma_semaphore, #tpu.memory_space<semaphore_mem>>) src(%dma_wait3A_110 : memref<1024x128xf32, #tpu.memory_space<hbm>>) dst(%arg7 : memref<64x128xf32, #tpu.memory_space<vmem>>)
    %add3A_111 = arith.constant 0 : i32
    %add3A_112 = arith.addi %mul3A_2, %add3A_111 : i32
    %dma_start3A_113 = arith.constant 0 : i32
    %dma_start3A_114 = tpu.memref_slice %arg4[%add3A_112, %dma_start3A_113] : memref<16384x128xf32, #tpu.memory_space<hbm>> -> memref<64x128xf32, #tpu.memory_space<hbm>>
    %dma_start3A_115 = arith.constant 0 : i32
    %dma_start3A_116 = tpu.memref_slice %arg4[%add3A_112, %dma_start3A_115] : memref<16384x128xf32, #tpu.memory_space<hbm>> -> memref<64x128xf32, #tpu.memory_space<hbm>>
    tpu.enqueue_dma source(%arg7 : memref<64x128xf32, #tpu.memory_space<vmem>>) target(%dma_start3A_116 : memref<64x128xf32, #tpu.memory_space<hbm>>) target_semaphore(%arg13 : memref<!tpu.dma_semaphore, #tpu.memory_space<semaphore_mem>>)
    %dma_wait3A_117 = arith.constant 64 : i32
    %dma_wait3A_118 = tpu.memref_slice %arg6[%dma_wait3A_117] : memref<512xi32, #tpu.memory_space<vmem>> -> memref<128xi32, #tpu.memory_space<vmem>>
    %dma_wait3A_119 = arith.constant 0 : i32
    %dma_wait3A_120 = arith.constant 0 : i32
    %dma_wait3A_121 = tpu.memref_slice %arg5[%dma_wait3A_119, %dma_wait3A_120] : memref<1024x128xf32, #tpu.memory_space<vmem_shared>> -> memref<1024x128xf32, #tpu.memory_space<vmem_shared>>
    tpu.wait_indirect_dma semaphore(%arg12 : memref<!tpu.dma_semaphore, #tpu.memory_space<semaphore_mem>>) src(%dma_wait3A_121 : memref<1024x128xf32, #tpu.memory_space<vmem_shared>>) dst(%arg8 : memref<128x128xf32, #tpu.memory_space<vmem>>)
    %add3A_122 = arith.constant 64 : i32
    %add3A_123 = arith.addi %mul3A_2, %add3A_122 : i32
    %dma_start3A_124 = arith.constant 0 : i32
    %dma_start3A_125 = tpu.memref_slice %arg4[%add3A_123, %dma_start3A_124] : memref<16384x128xf32, #tpu.memory_space<hbm>> -> memref<128x128xf32, #tpu.memory_space<hbm>>
    %dma_start3A_126 = arith.constant 0 : i32
    %dma_start3A_127 = tpu.memref_slice %arg4[%add3A_123, %dma_start3A_126] : memref<16384x128xf32, #tpu.memory_space<hbm>> -> memref<128x128xf32, #tpu.memory_space<hbm>>
    tpu.enqueue_dma source(%arg8 : memref<128x128xf32, #tpu.memory_space<vmem>>) target(%dma_start3A_127 : memref<128x128xf32, #tpu.memory_space<hbm>>) target_semaphore(%arg13 : memref<!tpu.dma_semaphore, #tpu.memory_space<semaphore_mem>>)
    %dma_wait3A_128 = arith.constant 192 : i32
    %dma_wait3A_129 = tpu.memref_slice %arg6[%dma_wait3A_128] : memref<512xi32, #tpu.memory_space<vmem>> -> memref<128xi32, #tpu.memory_space<vmem>>
    %dma_wait3A_130 = arith.constant 0 : i32
    %dma_wait3A_131 = arith.constant 0 : i32
    %dma_wait3A_132 = tpu.memref_slice %arg5[%dma_wait3A_130, %dma_wait3A_131] : memref<1024x128xf32, #tpu.memory_space<vmem_shared>> -> memref<1024x128xf32, #tpu.memory_space<vmem_shared>>
    tpu.wait_indirect_dma semaphore(%arg12 : memref<!tpu.dma_semaphore, #tpu.memory_space<semaphore_mem>>) src(%dma_wait3A_132 : memref<1024x128xf32, #tpu.memory_space<vmem_shared>>) dst(%arg9 : memref<128x128xf32, #tpu.memory_space<vmem>>)
    %add3A_133 = arith.constant 192 : i32
    %add3A_134 = arith.addi %mul3A_2, %add3A_133 : i32
    %dma_start3A_135 = arith.constant 0 : i32
    %dma_start3A_136 = tpu.memref_slice %arg4[%add3A_134, %dma_start3A_135] : memref<16384x128xf32, #tpu.memory_space<hbm>> -> memref<128x128xf32, #tpu.memory_space<hbm>>
    %dma_start3A_137 = arith.constant 0 : i32
    %dma_start3A_138 = tpu.memref_slice %arg4[%add3A_134, %dma_start3A_137] : memref<16384x128xf32, #tpu.memory_space<hbm>> -> memref<128x128xf32, #tpu.memory_space<hbm>>
    tpu.enqueue_dma source(%arg9 : memref<128x128xf32, #tpu.memory_space<vmem>>) target(%dma_start3A_138 : memref<128x128xf32, #tpu.memory_space<hbm>>) target_semaphore(%arg13 : memref<!tpu.dma_semaphore, #tpu.memory_space<semaphore_mem>>)
    %dma_wait3A_139 = arith.constant 320 : i32
    %dma_wait3A_140 = tpu.memref_slice %arg6[%dma_wait3A_139] : memref<512xi32, #tpu.memory_space<vmem>> -> memref<128xi32, #tpu.memory_space<vmem>>
    %dma_wait3A_141 = arith.constant 0 : i32
    %dma_wait3A_142 = arith.constant 0 : i32
    %dma_wait3A_143 = tpu.memref_slice %arg5[%dma_wait3A_141, %dma_wait3A_142] : memref<1024x128xf32, #tpu.memory_space<vmem_shared>> -> memref<1024x128xf32, #tpu.memory_space<vmem_shared>>
    tpu.wait_indirect_dma semaphore(%arg12 : memref<!tpu.dma_semaphore, #tpu.memory_space<semaphore_mem>>) src(%dma_wait3A_143 : memref<1024x128xf32, #tpu.memory_space<vmem_shared>>) dst(%arg10 : memref<128x128xf32, #tpu.memory_space<vmem>>)
    %add3A_144 = arith.constant 320 : i32
    %add3A_145 = arith.addi %mul3A_2, %add3A_144 : i32
    %dma_start3A_146 = arith.constant 0 : i32
    %dma_start3A_147 = tpu.memref_slice %arg4[%add3A_145, %dma_start3A_146] : memref<16384x128xf32, #tpu.memory_space<hbm>> -> memref<128x128xf32, #tpu.memory_space<hbm>>
    %dma_start3A_148 = arith.constant 0 : i32
    %dma_start3A_149 = tpu.memref_slice %arg4[%add3A_145, %dma_start3A_148] : memref<16384x128xf32, #tpu.memory_space<hbm>> -> memref<128x128xf32, #tpu.memory_space<hbm>>
    tpu.enqueue_dma source(%arg10 : memref<128x128xf32, #tpu.memory_space<vmem>>) target(%dma_start3A_149 : memref<128x128xf32, #tpu.memory_space<hbm>>) target_semaphore(%arg13 : memref<!tpu.dma_semaphore, #tpu.memory_space<semaphore_mem>>)
    %dma_wait3A_150 = arith.constant 448 : i32
    %dma_wait3A_151 = tpu.memref_slice %arg6[%dma_wait3A_150] : memref<512xi32, #tpu.memory_space<vmem>> -> memref<64xi32, #tpu.memory_space<vmem>>
    %dma_wait3A_152 = arith.constant 0 : i32
    %dma_wait3A_153 = arith.constant 0 : i32
    %dma_wait3A_154 = tpu.memref_slice %arg5[%dma_wait3A_152, %dma_wait3A_153] : memref<1024x128xf32, #tpu.memory_space<vmem_shared>> -> memref<1024x128xf32, #tpu.memory_space<vmem_shared>>
    tpu.wait_indirect_dma semaphore(%arg12 : memref<!tpu.dma_semaphore, #tpu.memory_space<semaphore_mem>>) src(%dma_wait3A_154 : memref<1024x128xf32, #tpu.memory_space<vmem_shared>>) dst(%arg11 : memref<64x128xf32, #tpu.memory_space<vmem>>)
    %add3A_155 = arith.constant 448 : i32
    %add3A_156 = arith.addi %mul3A_2, %add3A_155 : i32
    %dma_start3A_157 = arith.constant 0 : i32
    %dma_start3A_158 = tpu.memref_slice %arg4[%add3A_156, %dma_start3A_157] : memref<16384x128xf32, #tpu.memory_space<hbm>> -> memref<64x128xf32, #tpu.memory_space<hbm>>
    %dma_start3A_159 = arith.constant 0 : i32
    %dma_start3A_160 = tpu.memref_slice %arg4[%add3A_156, %dma_start3A_159] : memref<16384x128xf32, #tpu.memory_space<hbm>> -> memref<64x128xf32, #tpu.memory_space<hbm>>
    tpu.enqueue_dma source(%arg11 : memref<64x128xf32, #tpu.memory_space<vmem>>) target(%dma_start3A_160 : memref<64x128xf32, #tpu.memory_space<hbm>>) target_semaphore(%arg13 : memref<!tpu.dma_semaphore, #tpu.memory_space<semaphore_mem>>)
    %dma_wait3A_161 = arith.constant 0 : i32
    %dma_wait3A_162 = tpu.memref_slice %arg4[%add3A_112, %dma_wait3A_161] : memref<16384x128xf32, #tpu.memory_space<hbm>> -> memref<64x128xf32, #tpu.memory_space<hbm>>
    %dma_wait3A_163 = arith.constant 0 : i32
    %dma_wait3A_164 = tpu.memref_slice %arg4[%add3A_112, %dma_wait3A_163] : memref<16384x128xf32, #tpu.memory_space<hbm>> -> memref<64x128xf32, #tpu.memory_space<hbm>>
    tpu.wait_dma2 semaphore(%arg13 : memref<!tpu.dma_semaphore, #tpu.memory_space<semaphore_mem>>) src(%arg7 : memref<64x128xf32, #tpu.memory_space<vmem>>) dst(%dma_wait3A_164 : memref<64x128xf32, #tpu.memory_space<hbm>>)
    %dma_wait3A_165 = arith.constant 0 : i32
    %dma_wait3A_166 = tpu.memref_slice %arg4[%add3A_123, %dma_wait3A_165] : memref<16384x128xf32, #tpu.memory_space<hbm>> -> memref<128x128xf32, #tpu.memory_space<hbm>>
    %dma_wait3A_167 = arith.constant 0 : i32
    %dma_wait3A_168 = tpu.memref_slice %arg4[%add3A_123, %dma_wait3A_167] : memref<16384x128xf32, #tpu.memory_space<hbm>> -> memref<128x128xf32, #tpu.memory_space<hbm>>
    tpu.wait_dma2 semaphore(%arg13 : memref<!tpu.dma_semaphore, #tpu.memory_space<semaphore_mem>>) src(%arg8 : memref<128x128xf32, #tpu.memory_space<vmem>>) dst(%dma_wait3A_168 : memref<128x128xf32, #tpu.memory_space<hbm>>)
    %dma_wait3A_169 = arith.constant 0 : i32
    %dma_wait3A_170 = tpu.memref_slice %arg4[%add3A_134, %dma_wait3A_169] : memref<16384x128xf32, #tpu.memory_space<hbm>> -> memref<128x128xf32, #tpu.memory_space<hbm>>
    %dma_wait3A_171 = arith.constant 0 : i32
    %dma_wait3A_172 = tpu.memref_slice %arg4[%add3A_134, %dma_wait3A_171] : memref<16384x128xf32, #tpu.memory_space<hbm>> -> memref<128x128xf32, #tpu.memory_space<hbm>>
    tpu.wait_dma2 semaphore(%arg13 : memref<!tpu.dma_semaphore, #tpu.memory_space<semaphore_mem>>) src(%arg9 : memref<128x128xf32, #tpu.memory_space<vmem>>) dst(%dma_wait3A_172 : memref<128x128xf32, #tpu.memory_space<hbm>>)
    %dma_wait3A_173 = arith.constant 0 : i32
    %dma_wait3A_174 = tpu.memref_slice %arg4[%add3A_145, %dma_wait3A_173] : memref<16384x128xf32, #tpu.memory_space<hbm>> -> memref<128x128xf32, #tpu.memory_space<hbm>>
    %dma_wait3A_175 = arith.constant 0 : i32
    %dma_wait3A_176 = tpu.memref_slice %arg4[%add3A_145, %dma_wait3A_175] : memref<16384x128xf32, #tpu.memory_space<hbm>> -> memref<128x128xf32, #tpu.memory_space<hbm>>
    tpu.wait_dma2 semaphore(%arg13 : memref<!tpu.dma_semaphore, #tpu.memory_space<semaphore_mem>>) src(%arg10 : memref<128x128xf32, #tpu.memory_space<vmem>>) dst(%dma_wait3A_176 : memref<128x128xf32, #tpu.memory_space<hbm>>)
    %dma_wait3A_177 = arith.constant 0 : i32
    %dma_wait3A_178 = tpu.memref_slice %arg4[%add3A_156, %dma_wait3A_177] : memref<16384x128xf32, #tpu.memory_space<hbm>> -> memref<64x128xf32, #tpu.memory_space<hbm>>
    %dma_wait3A_179 = arith.constant 0 : i32
    %dma_wait3A_180 = tpu.memref_slice %arg4[%add3A_156, %dma_wait3A_179] : memref<16384x128xf32, #tpu.memory_space<hbm>> -> memref<64x128xf32, #tpu.memory_space<hbm>>
    tpu.wait_dma2 semaphore(%arg13 : memref<!tpu.dma_semaphore, #tpu.memory_space<semaphore_mem>>) src(%arg11 : memref<64x128xf32, #tpu.memory_space<vmem>>) dst(%dma_wait3A_180 : memref<64x128xf32, #tpu.memory_space<hbm>>)
    return
  }
}

</mosaic_0001>

<sc_bundles>
// kernel: kernel.3.cloned.1.call-start
scs
__scs_entry_jumppad:
0x0: {  	(pc) =	sbr.rel $0x88, $3  }
0x1: {  	(tag) =	ssettag $0x0;
	lr =	simm.s32 $0x1  }
0x2: {  	[smem:$0x3F9F] =	sst lr;
	_ =	strace $0xD0000000  }
0x3: {  	_ = 	snop  }
0x4: {  	_ = 	snop  }
0x5: {  	_ = 	snop  }
0x6: {  	_ = 	snop  }
0x7: {  	_ = 	snop  }
__scs_overlays_trampoline_lowered:
0x8: {  	[smem:$0x3FAE] =	sst s0  }
0x9: {  	[smem:$0x3FAF] =	sst s1  }
0xa: {  	[smem:$0x3FB0] =	sst s2  }
0xb: {  	[smem:$0x3FB1] =	sst s3  }
0xc: {  	[smem:$0x3FB2] =	sst s4  }
0xd: {  	[smem:$0x3FB3] =	sst s5  }
0xe: {  	[smem:$0x3FB4] =	sst s6  }
0xf: {  	[smem:$0x3FB5] =	sst s7  }
0x10: {  	[smem:$0x3FB6] =	sst s8  }
0x11: {  	[smem:$0x3FB7] =	sst s9;
	s0 =	simm.s32 @!p0 $0x0  }
0x12: {  	s1 =	sld [smem:$0x3F9D];
	s0 =	simm.s32 @p0 $0x1  }
0x13: {  	[smem:$0x3FB8] =	sst s0;
	s0 =	simm.s32 @!p1 $0x0  }
0x14: {  	s2 =	sld [smem:$0x3F9C];
	s0 =	simm.s32 @p1 $0x1  }
0x15: {  	[smem:$0x3FB9] =	sst s0;
	s0 =	simm.s32 @!p2 $0x0  }
0x16: {  	s3 =	sld [smem:$0x3FDB];
	s0 =	simm.s32 @p2 $0x1  }
0x17: {  	s4 =	simm.s32 $0x1BF5;
	[smem:$0x3FBB] =	sst s0  }
0x18: {  	s0 =	sld [smem:$0x3F9E];
	_ =	swait.ge [sflag:s4], $0x0  }
0x19: {  	s7 =	sld [smem:$0x3F9F]  }
0x1a: {  	s8 =	sadd.s32 $0xFFFFE003, lr  }
0x1b: {  	s9 =	sadd.s32 $0xFFFFFEF7, lr;
	s5 =	simm.s32 $0xFFFFFFFF;
	p2 =	slt.u32 s8, $0xFFFFF086  }
0x1c: {  	p1 =	slt.u32 s9, $0xF7A;
	s5 =	simm.s32 @!p2 $0x0  }
0x1d: {  	s5 =	simm.s32 @p1 $0x1;
	p0 =	seq.s32 s7, s2  }
0x1e: {  	s7 =	smul.u32 @!p0 $0xF7A, s2;
	p2 =	seq.s32 @!p0 s5, $0x0  }
0x1f: {  	s9 =	smul.u32 $0xF7A, s1;
	s8 =	simm.s32 @!p0 $0x1BF5;
	p2 =	por !p2, p0  }
0x20: {  	[sflag:s8] =	ssyncset.s32 @!p0 $0xFFFFF086;
	s6 =	sadd.s32 @!p0 s3, s7;
	s7 =	simm.s32 @!p0 $0x108  }
0x21: {  	s3 =	sadd.s32 s3, s9;
	s6 =	sadd.s32 @!p0 $0x88, s6;
	s7 =	simm.s32 @p2 $0x1082  }
0x22: {  	[simem:s7], [sflag:s8] =	dma.local @!p0 [hbm:s6], $0xF7A  }
0x23: {  	s9 =	sor.u32 $0xD0000000, s2;
	s6 =	simm.s32 $0x108;
	_ =	swait.ge @!p0 [sflag:s8], $0x0  }
0x24: {  	s3 =	sadd.s32 $0x88, s3;
	s6 =	simm.s32 @!p1 $0x1082;
	[sflag:s4] =	ssyncset.s32 $0xFFFFF086  }
0x25: {  	[simem:s6], [sflag:s4] =	dma.local [hbm:s3], $0xF7A  }
0x26: {  	[smem:$0x3F9F] =	sst s1;
	(tag) =	ssettag s2;
	_ =	strace s9  }
0x27: {  	s1 =	sld [smem:$0x3FAF]  }
0x28: {  	s2 =	sld [smem:$0x3FB0]  }
0x29: {  	s4 =	sld [smem:$0x3FB2]  }
0x2a: {  	p0 =	seq.s32 s5, $0x0;
	s5 =	sld [smem:$0x3FB3]  }
0x2b: {  	s6 =	sld [smem:$0x3FB4]  }
0x2c: {  	s7 =	sld [smem:$0x3FB5]  }
0x2d: {  	s3 =	simm.s32 $0x108;
	s8 =	sld [smem:$0x3FB6]  }
0x2e: {  	s3 =	simm.s32 @!p0 $0x1082;
	s9 =	sld [smem:$0x3FB7]  }
0x2f: {  	lr =	sadd.s32 s0, s3;
	s0 =	sld [smem:$0x3FAE]  }
0x30: {  	s3 =	sld [smem:$0x3FB1]  }
0x31: {  	[smem:$0x3FBA] =	sst s10  }
0x32: {  	s10 =	sld [smem:$0x3FB8];
	_ =	sdelay $0x3  }
0x33: {  	p0 =	seq.s32 s10, $0x1;
	s10 =	sld [smem:$0x3FBA];
	_ =	sdelay $0x3  }
0x34: {  	[smem:$0x3FBA] =	sst s10  }
0x35: {  	s10 =	sld [smem:$0x3FB9];
	_ =	sdelay $0x3  }
0x36: {  	p1 =	seq.s32 s10, $0x1;
	s10 =	sld [smem:$0x3FBA];
	_ =	sdelay $0x3  }
0x37: {  	[smem:$0x3FBA] =	sst s10  }
0x38: {  	s10 =	sld [smem:$0x3FBB]  }
0x39: {  	_ = 	snop;
	(pc) =	sbr.ind lr, $3  }
0x3a: {  	_ = 	snop  }
0x3b: {  	_ = 	snop  }
0x3c: {  	p2 =	seq.s32 s10, $0x1;
	s10 =	sld [smem:$0x3FBA]  }
0x3d: {  	_ =	shalt  }
0x3e: {  	_ =	shalt  }
0x3f: {  	_ =	shalt  }
0x40: {  	_ =	shalt  }
0x41: {  	_ =	shalt  }
0x42: {  	_ =	shalt  }
0x43: {  	_ =	shalt  }
0x44: {  	_ =	shalt  }
0x45: {  	_ =	shalt  }
0x46: {  	_ =	shalt  }
0x47: {  	_ =	shalt  }
0x48: {  	_ =	shalt  }
0x49: {  	_ =	shalt  }
0x4a: {  	_ =	shalt  }
0x4b: {  	_ =	shalt  }
0x4c: {  	_ =	shalt  }
0x4d: {  	_ =	shalt  }
0x4e: {  	_ =	shalt  }
0x4f: {  	_ =	shalt  }
0x50: {  	_ =	shalt  }
0x51: {  	_ =	shalt  }
0x52: {  	_ =	shalt  }
0x53: {  	_ =	shalt  }
0x54: {  	_ =	shalt  }
0x55: {  	_ =	shalt  }
0x56: {  	_ =	shalt  }
0x57: {  	_ =	shalt  }
0x58: {  	_ =	shalt  }
0x59: {  	_ =	shalt  }
0x5a: {  	_ =	shalt  }
0x5b: {  	_ =	shalt  }
0x5c: {  	_ =	shalt  }
0x5d: {  	_ =	shalt  }
0x5e: {  	_ =	shalt  }
0x5f: {  	_ =	shalt  }
0x60: {  	_ =	shalt  }
0x61: {  	_ =	shalt  }
0x62: {  	_ =	shalt  }
0x63: {  	_ =	shalt  }
0x64: {  	_ =	shalt  }
0x65: {  	_ =	shalt  }
0x66: {  	_ =	shalt  }
0x67: {  	_ =	shalt  }
0x68: {  	_ =	shalt  }
0x69: {  	_ =	shalt  }
0x6a: {  	_ =	shalt  }
0x6b: {  	_ =	shalt  }
0x6c: {  	_ =	shalt  }
0x6d: {  	_ =	shalt  }
0x6e: {  	_ =	shalt  }
0x6f: {  	_ =	shalt  }
0x70: {  	_ =	shalt  }
0x71: {  	_ =	shalt  }
0x72: {  	_ =	shalt  }
0x73: {  	_ =	shalt  }
0x74: {  	_ =	shalt  }
0x75: {  	_ =	shalt  }
0x76: {  	_ =	shalt  }
0x77: {  	_ =	shalt  }
0x78: {  	_ =	shalt  }
0x79: {  	_ =	shalt  }
0x7a: {  	_ =	shalt  }
0x7b: {  	_ =	shalt  }
0x7c: {  	_ =	shalt  }
0x7d: {  	_ =	shalt  }
0x7e: {  	_ =	shalt  }
0x7f: {  	_ =	shalt  }
0x80: {  	_ =	shalt  }
0x81: {  	_ =	shalt  }
0x82: {  	_ =	shalt  }
0x83: {  	_ =	shalt  }
0x84: {  	_ =	shalt  }
0x85: {  	_ =	shalt  }
0x86: {  	_ =	shalt  }
0x87: {  	_ =	shalt  }
.Lfunc_end0:
.L_simem_size_0:
called_computation_lowered:
.L_overlay_start_0:
0x88: {  	s2 =	sld [smem:$0x3FD9]  }
0x89: {  	s3 =	sld [smem:$0x3FFE];
	_ =	sdelay $0x1  }
0x8a: {  	s1 =	srdreg.scid  }
0x8b: {  	s0 =	sand.u32 $0x1, s1  }
0x8c: {  	s17 =	sshll.u32 s0, $0xA;
	s2 =	sadd.s32 s3, s2  }
0x8d: {  	s2 =	sadd.s32 s2, s17  }
0x8e: {  	[smem:$0x3FC6] =	sst s2  }
0x8f: {  	_ = 	snop  }
0x90: {  	s2 =	sld [smem:$0x3FC9]  }
0x91: {  	s18 =	sld [smem:$0x3FD0];
	(tm) =	ssettm $0x1  }
0x92: {  	s4 =	sld [smem:$0x3FFB];
	_ =	sdelay $0x3  }
0x93: {  	_ =	strace s4  }
0x94: {  	s4 =	sld [smem:$0x3FFC];
	_ =	sdelay $0x3  }
0x95: {  	_ =	strace s4  }
0x96: {  	s4 =	sld [smem:$0x3FFD];
	_ =	sdelay $0x3  }
0x97: {  	_ =	strace s4  }
0x98: {  	_ =	strace $0x8FFFFFFF  }
0x99: {  	s19 =	sld [smem:$0x3FDB];
	_ =	sdelay $0x1  }
0x9a: {  	s5 =	simm.s32 $_scs_section_size  }
0x9b: {  	s6 =	simm.s32 $_size__tile_overlayer_lowered;
	s7 =	simm.s32 $_tile_overlayer_lowered  }
0x9c: {  	s22 =	simm.s32 $0x1BFF;
	s21 =	sshll.u32 s7, $0x1;
	s4 =	sadd.s32 s5, s19  }
0x9d: {  	s8 =	simm.s32 $0x0;
	s20 =	sshll.u32 s6, $0x1;
	s6 =	sadd.s32 s21, s4  }
0x9e: {  	[timem:s8], [sflag:s22] =	dma.local [hbm:s6], s20  }
0x9f: {  	_ =	swait.ge [sflag:s22], s20  }
0xa0: {  	s5 =	ssub.s32 $0x0, s20;
	[sflag:s22] =	ssyncset.done $0x0  }
0xa1: {  	[sflag:s22] =	ssyncadd.s32 s5;
	_ =	sdelay $0x1  }
0xa2: {  	s23 =	simm.s32 $0x1B8B  }
0xa3: {  	_ =	swait.ge [sflag:s23], $0x1  }
0xa4: {  	[sflag:s23] =	ssyncset.done $0x0  }
0xa5: {  	s25 =	simm.s32 $0x1B8E;
	s24 =	sld [smem:$0x3FFE];
	[sflag:s23] =	ssyncadd.s32 $0xFFFFFFFF  }
0xa6: {  	s26 =	simm.s32 $execute0_lowered;
	[smem:$0x3FD2] =	sst s25  }
0xa7: {  	s6 =	sshll.u32 s26, $0x1;
	_ =	strace $0x80000046;
	[dreg:$0x1] =	wrdreg $0xFFFFFFFF  }
0xa8: {  	s28 =	simm.s32 $_size_execute0_lowered;
	s4 =	sadd.s32 s4, s6;
	[dreg:$0x0] =	wrdreg $0x0  }
0xa9: {  	s6 =	sshll.u32 s28, $0x1;
	[dreg:$0x2] =	wrdreg s4  }
0xaa: {  	[dreg:$0x3] =	wrdreg s6  }
0xab: {  	[dreg:$0x4] =	wrdreg $0xC0  }
0xac: {  	_ =	task [dreg:s8], $0x5FFFF  }
0xad: {  	[dreg:$0x1] =	wrdreg $0xFFFFFFFF  }
0xae: {  	[dreg:$0x0] =	wrdreg $0x60  }
0xaf: {  	[dreg:$0x2] =	wrdreg s2  }
0xb0: {  	[dreg:$0x3] =	wrdreg s24  }
0xb1: {  	[dreg:$0x4] =	wrdreg s18  }
0xb2: {  	[dreg:$0x5] =	wrdreg $0x0  }
0xb3: {  	[dreg:$0x6] =	wrdreg $0x9  }
0xb4: {  	_ =	task.clear_ibuf [dreg:s8], $0x7FFFF;
	_ =	strace $0x90000046  }
0xb5: {  	s29 =	simm.s32 $0x9;
	_ =	strace $0x80000048  }
0xb6: {  	_ =	swait.ge [sflag:s29], $0x1  }
0xb7: {  	[sflag:s29] =	ssyncadd.s32 $0xFFFFFFFF  }
0xb8: {  	_ =	strace $0x90000048  }
0xb9: {  	_ =	sfence  }
0xba: {  	s30 =	sld [smem:$0x0];
	_ =	sdelay $0x2  }
0xbb: {  	s31 =	sshll.u32 s1, $0xD;
	s1 =	sshrl.u32 s1, $0x2  }
0xbc: {  	s3 =	sand.u32 $0x4000, s31;
	s1 =	sadd.s32 s1, s30  }
0xbd: {  	s0 =	sor.u32 s3, s0;
	s1 =	sshll.u32 s1, $0x11  }
0xbe: {  	s0 =	sor.u32 s1, s0  }
0xbf: {  	s0 =	sadd.s32 $0x8F2B, s0  }
0xc0: {  	[sflag:s0] =	ssyncadd.remote.s32 $0x1  }
0xc1: {  	_ =	sfence.sel $0xFFFF  }
0xc2: {  	[dreg:$0x0] =	wrdreg $0xFFFFFFFF;
	(pc) =	sbr.abs _section_cstart, $3  }
0xc3: {  	[dreg:$0x1] =	wrdreg $0xFFFFFFFF  }
0xc4: {  	_ =	task.clear_ibuf [dreg:s8], $0x2FFFF;
	_ =	strace $0x9FFFFFFF  }
0xc5: {  	(tm) =	ssettm $0x7FFFFFFF  }
tec
execute0_lowered:
.L_overlay_start_1:
0x0: {  	(tag) =	ssettag $0x1  }
0x1: {  	s0 =	rddreg [dreg:$0x0]  }
0x2: {  	s1 =	rddreg [dreg:$0x1]  }
0x3: {  	s4 =	rddreg [dreg:$0x2]  }
0x4: {  	s3 =	rddreg [dreg:$0x3];
	s2 =	simm.s32 $0x0  }
0x5: {  	s5 =	srdreg.scid;
	s15 =	stileid.u32;
	s29 =	simm.s32 $0x2000  }
0x6: {  	s30 =	simm.s32 $0x4;
	p0 =	por $0x0, $0x0;
	s28 =	simm.s32 $0x5  }
0x7: {  	[smem:$0x7FF] =	sst s2;
	s5 =	sand.u32 $0x1, s5;
	s8 =	sshll.u32 s15, $0xA  }
0x8: {  	s7 =	sadd.s32 $0x400, s1;
	s19 =	sshll.u32 s15, $0x6;
	_ =	strace $0x80000047  }
0x9: {  	s6 =	ssub.s32 $0x2, s5;
	s5 =	sshll.u32 s5, $0x9;
	s23 =	sadd.s32 s7, s8  }
0xa: {  	s25 =	sor.u32 $0x1C03, s19;
	s19 =	simm.s32 $0x8200;
	s5 =	sor.u32 s5, s8  }
0xb: {  	s10 =	sshrl.u32 s6, $0x1;
	s11 =	sshrl.u32 s5, $0x3;
	s9 =	sor.u32 $0x40, s5  }
0xc: {  	s1 =	ssub.s32 s6, s10;
	s6 =	sadd.s32 s0, s11;
	s10 =	sshrl.u32 s9, $0x3  }
0xd: {  	s11 =	sor.u32 $0xC0, s5;
	s20 =	sshll.u32 s9, $0x4;
	s1 =	smax.u32 s1, $0x1  }
0xe: {  	[dreg:$0x5] =	wrdreg s6;
	s12 =	sadd.s32 s0, s10;
	s13 =	sshrl.u32 s11, $0x3  }
0xf: {  	s9 =	sadd.s32 s4, s20;
	s21 =	sshll.u32 s11, $0x4;
	s20 =	simm.s32 $0x40  }
0x10: {  	p1 =	sne.s32 s1, $0x1;
	s11 =	simm.s32 $0x10200;
	[dreg:$0x6] =	wrdreg s12  }
0x11: {  	s14 =	sadd.s32 s0, s13;
	s12 =	sor.u32 $0x140, s5;
	s13 =	sor.u32 $0x1C0, s5  }
0x12: {  	s5 =	sshll.u32 s5, $0x4;
	s8 =	sadd.s32 s4, s21;
	s21 =	simm.s32 $0x4200  }
0x13: {  	[dreg:$0x7] =	wrdreg s14;
	s16 =	sshrl.u32 s12, $0x3;
	s17 =	sshrl.u32 s13, $0x3  }
0x14: {  	s14 =	sshll.u32 s15, $0xD;
	s10 =	sadd.s32 s4, s5;
	s24 =	sshll.u32 s12, $0x4  }
0x15: {  	s26 =	sshll.u32 s13, $0x4;
	s15 =	simm.s32 $0x20C0;
	s12 =	simm.s32 $0xC200  }
0x16: {  	s13 =	simm.s32 $0x1;
	s6 =	sadd.s32 s0, s16;
	s22 =	sadd.s32 s0, s17  }
.Ltmp0:
0x17: {  	s18 =	sadd.s32 s14, s3;
	s5 =	sadd.s32 s4, s26;
	(pc) =	sbr.rel @!p1 .LBB2_3-.Ltmp0, $4  }
0x18: {  	s14 =	simm.s32 $0x2040;
	s16 =	simm.s32 $0x2140;
	s17 =	simm.s32 $0x21C0  }
0x19: {  	s26 =	simm.s32 $0x3;
	s0 =	sadd.s32 $0xFFFFFFFF, s1;
	s1 =	rddreg [dreg:$0x5]  }
0x1a: {  	[dreg:$0x8] =	wrdreg s6;
	s6 =	sadd.s32 s4, s24;
	s31 =	sshrl.u32 s18, $0x3  }
0x1b: {  	s18 =	simm.s32 $0x2200;
	s4 =	simm.s32 $0x2;
	s24 =	simm.s32 $0x80  }
0x1c: {  	[dreg:$0x9] =	wrdreg s0  }
0x1d: {  	[tilespmem:s29], [sflag:$0x4] =	stream.linear.gather [hbm4b:s1+s2], $0x40, $0x38;
	[tilespmem:$0x12200] =	vst v63  }
0x1e: {  	s0 =	rddreg [dreg:$0x6]  }
0x1f: {  	[tilespmem:s14], [sflag:$0x2] =	stream.linear.gather [hbm4b:s0+s2], $0x80, $0x38;
	[tilespmem:$0x12200] =	vst v63  }
0x20: {  	s1 =	rddreg [dreg:$0x7]  }
0x21: {  	[tilespmem:s15], [sflag:$0x2] =	stream.linear.gather [hbm4b:s1+s2], $0x80, $0x38;
	[tilespmem:$0x12200] =	vst v63  }
0x22: {  	s0 =	rddreg [dreg:$0x8]  }
0x23: {  	[tilespmem:s16], [sflag:$0x2] =	stream.linear.gather [hbm4b:s0+s2], $0x80, $0x38;
	[tilespmem:$0x12200] =	vst v63  }
0x24: {  	_ = 	snop  }
0x25: {  	[tilespmem:s17], [sflag:$0x2] =	stream.linear.gather [hbm4b:s22+s2], $0x40, $0x38;
	[tilespmem:$0x12200] =	vst v63  }
0x26: {  	[spmem:s31], [sflag:s25] =	dma.local [hbm:s23], $0x400  }
0x27: {  	_ =	swait.ge [sflag:s30], $0x40  }
0x28: {  	[sflag:s30] =	ssyncset.done $0x0  }
0x29: {  	[sflag:s30] =	ssyncadd.s32 $0xFFFFFFC0  }
0x2a: {  	[tilespmem:s18], [sflag:$0x5] =	stream.indirect.gather [hbm4b:s7+s20], $0x80, s29, s20, $0xb8;
	[tilespmem:$0x12200] =	vst v63  }
0x2b: {  	_ =	swait.ge [sflag:s4], $0x80  }
0x2c: {  	[sflag:s4] =	ssyncset.done $0x0  }
0x2d: {  	[sflag:s4] =	ssyncadd.s32 $0xFFFFFF80  }
0x2e: {  	_ =	swait.ge [sflag:s4], $0x80  }
0x2f: {  	[sflag:s4] =	ssyncset.done $0x0  }
0x30: {  	[sflag:s4] =	ssyncadd.s32 $0xFFFFFF80  }
0x31: {  	_ =	swait.ge [sflag:s4], $0x80  }
0x32: {  	[sflag:s4] =	ssyncset.done $0x0  }
0x33: {  	[sflag:s4] =	ssyncadd.s32 $0xFFFFFF80  }
0x34: {  	_ =	swait.ge [sflag:s4], $0x40  }
0x35: {  	[sflag:s4] =	ssyncset.done $0x0  }
0x36: {  	[sflag:s4] =	ssyncadd.s32 $0xFFFFFFC0  }
0x37: {  	_ =	swait.ge [sflag:s26], $0x400  }
0x38: {  	[sflag:s26] =	ssyncset.done $0x0  }
0x39: {  	[sflag:s26] =	ssyncadd.s32 $0xFFFFFC00  }
0x3a: {  	[bflag:$0x0] =	sbarrier.arrive $0xFFFF  }
0x3b: {  	[tilespmem:s21], [sflag:$0x1] =	stream.indirect.gather [spmem:s3], $0x80, s14, s24, $0xb8;
	[tilespmem:$0x12200] =	vst v63  }
0x3c: {  	_ = 	snop  }
0x3d: {  	[tilespmem:s19], [sflag:$0x1] =	stream.indirect.gather [spmem:s3], $0x80, s15, s24, $0xb8;
	[tilespmem:$0x12200] =	vst v63  }
0x3e: {  	_ = 	snop  }
0x3f: {  	[tilespmem:s12], [sflag:$0x1] =	stream.indirect.gather [spmem:s3], $0x80, s16, s24, $0xb8;
	[tilespmem:$0x12200] =	vst v63  }
0x40: {  	_ = 	snop  }
0x41: {  	[tilespmem:s11], [sflag:$0x1] =	stream.indirect.gather [spmem:s3], $0x80, s17, s20, $0xb8;
	[tilespmem:$0x12200] =	vst v63  }
0x42: {  	_ =	swait.ge [sflag:s28], $0x2000  }
0x43: {  	[sflag:s28] =	ssyncset.done $0x0  }
0x44: {  	[sflag:s28] =	ssyncadd.s32 $0xFFFFE000  }
0x45: {  	[hbm4b:s10+s2] =	stream.linear.scatter [tilespmem:s18], [sflag:$0x2], $0x2000, $0x38;
	[tilespmem:$0x12200] =	vst v63  }
0x46: {  	_ =	swait.ge [sflag:s13], $0x4000  }
0x47: {  	[sflag:s13] =	ssyncset.done $0x0  }
0x48: {  	[sflag:s13] =	ssyncadd.s32 $0xFFFFC000  }
0x49: {  	[hbm4b:s9+s2] =	stream.linear.scatter [tilespmem:s21], [sflag:$0x2], $0x4000, $0x38;
	[tilespmem:$0x12200] =	vst v63  }
0x4a: {  	_ =	swait.ge [sflag:s13], $0x4000  }
0x4b: {  	[sflag:s13] =	ssyncset.done $0x0  }
0x4c: {  	[sflag:s13] =	ssyncadd.s32 $0xFFFFC000  }
0x4d: {  	[hbm4b:s8+s2] =	stream.linear.scatter [tilespmem:s19], [sflag:$0x2], $0x4000, $0x38;
	[tilespmem:$0x12200] =	vst v63  }
0x4e: {  	_ =	swait.ge [sflag:s13], $0x4000  }
0x4f: {  	[sflag:s13] =	ssyncset.done $0x0  }
0x50: {  	[sflag:s13] =	ssyncadd.s32 $0xFFFFC000  }
0x51: {  	[hbm4b:s6+s2] =	stream.linear.scatter [tilespmem:s12], [sflag:$0x2], $0x4000, $0x38;
	[tilespmem:$0x12200] =	vst v63  }
0x52: {  	_ =	swait.ge [sflag:s13], $0x2000  }
0x53: {  	[sflag:s13] =	ssyncset.done $0x0  }
0x54: {  	[sflag:s13] =	ssyncadd.s32 $0xFFFFE000  }
0x55: {  	[hbm4b:s5+s2] =	stream.linear.scatter [tilespmem:s11], [sflag:$0x2], $0x2000, $0x38;
	[tilespmem:$0x12200] =	vst v63  }
0x56: {  	_ =	swait.ge [sflag:s4], $0x2000  }
0x57: {  	[sflag:s4] =	ssyncset.done $0x0  }
0x58: {  	[sflag:s4] =	ssyncadd.s32 $0xFFFFE000  }
0x59: {  	_ =	swait.ge [sflag:s4], $0x4000  }
0x5a: {  	[sflag:s4] =	ssyncset.done $0x0  }
0x5b: {  	[sflag:s4] =	ssyncadd.s32 $0xFFFFC000  }
0x5c: {  	_ =	swait.ge [sflag:s4], $0x4000  }
0x5d: {  	[sflag:s4] =	ssyncset.done $0x0  }
0x5e: {  	[sflag:s4] =	ssyncadd.s32 $0xFFFFC000  }
0x5f: {  	_ =	swait.ge [sflag:s4], $0x4000  }
0x60: {  	s1 =	rddreg [dreg:$0x9]  }
0x61: {  	p1 =	sne.s32 s1, $0x1  }
.Ltmp1:
0x62: {  	_ = 	snop;
	(pc) =	sbr.rel @!p1 .LBB2_3-.Ltmp1, $4  }
0x63: {  	[sflag:s4] =	ssyncset.done $0x0  }
0x64: {  	[sflag:s4] =	ssyncadd.s32 $0xFFFFC000  }
0x65: {  	p0 =	por $0x1, $0x1;
	_ =	swait.ge [sflag:s4], $0x2000  }
0x66: {  	s0 =	sadd.s32 $0xFFFFFFFF, s1;
	s1 =	rddreg [dreg:$0x5];
	[sflag:s4] =	ssyncset.done $0x0  }
.LBB2_2:
0x67: {  	[sflag:s4] =	ssyncadd.s32 $0xFFFFE000;
	s11 =	smov.u32 s10  }
0x68: {  	s10 =	smov.u32 s9;
	s9 =	smov.u32 s8;
	s8 =	smov.u32 s7  }
0x69: {  	[tilespmem:s29], [sflag:$0x4] =	stream.linear.gather [hbm4b:s1+s2], $0x40, $0x38;
	[tilespmem:$0x12200] =	vst v63  }
0x6a: {  	s7 =	smov.u32 s6;
	s6 =	smov.u32 s5;
	s5 =	rddreg [dreg:$0x6]  }
0x6b: {  	[tilespmem:s14], [sflag:$0x2] =	stream.linear.gather [hbm4b:s5+s2], $0x80, $0x38;
	[tilespmem:$0x12200] =	vst v63  }
0x6c: {  	s1 =	rddreg [dreg:$0x7]  }
0x6d: {  	[tilespmem:s15], [sflag:$0x2] =	stream.linear.gather [hbm4b:s1+s2], $0x80, $0x38;
	[tilespmem:$0x12200] =	vst v63  }
0x6e: {  	s5 =	rddreg [dreg:$0x8]  }
0x6f: {  	[tilespmem:s16], [sflag:$0x2] =	stream.linear.gather [hbm4b:s5+s2], $0x80, $0x38;
	[tilespmem:$0x12200] =	vst v63  }
0x70: {  	_ = 	snop  }
0x71: {  	[tilespmem:s17], [sflag:$0x2] =	stream.linear.gather [hbm4b:s22+s2], $0x40, $0x38;
	[tilespmem:$0x12200] =	vst v63  }
0x72: {  	[spmem:s31], [sflag:s25] =	dma.local [hbm:s23], $0x400  }
0x73: {  	_ =	swait.ge [sflag:s30], $0x40  }
0x74: {  	s5 =	smov.u32 s6;
	[sflag:s30] =	ssyncset.done $0x0  }
0x75: {  	s6 =	smov.u32 s7;
	s7 =	smov.u32 s8;
	[sflag:s30] =	ssyncadd.s32 $0xFFFFFFC0  }
0x76: {  	[tilespmem:s18], [sflag:$0x5] =	stream.indirect.gather [hbm4b:s7+s20], $0x80, s29, s20, $0xb8;
	[tilespmem:$0x12200] =	vst v63  }
0x77: {  	_ =	swait.ge [sflag:s4], $0x80  }
0x78: {  	[sflag:s4] =	ssyncset.done $0x0  }
0x79: {  	[sflag:s4] =	ssyncadd.s32 $0xFFFFFF80  }
0x7a: {  	_ =	swait.ge [sflag:s4], $0x80  }
0x7b: {  	[sflag:s4] =	ssyncset.done $0x0  }
0x7c: {  	[sflag:s4] =	ssyncadd.s32 $0xFFFFFF80  }
0x7d: {  	_ =	swait.ge [sflag:s4], $0x80  }
0x7e: {  	[sflag:s4] =	ssyncset.done $0x0  }
0x7f: {  	[sflag:s4] =	ssyncadd.s32 $0xFFFFFF80  }
0x80: {  	_ =	swait.ge [sflag:s4], $0x40  }
0x81: {  	[sflag:s4] =	ssyncset.done $0x0  }
0x82: {  	[sflag:s4] =	ssyncadd.s32 $0xFFFFFFC0  }
0x83: {  	_ =	swait.ge [sflag:s26], $0x400  }
0x84: {  	[sflag:s26] =	ssyncset.done $0x0  }
0x85: {  	[sflag:s26] =	ssyncadd.s32 $0xFFFFFC00  }
0x86: {  	[bflag:$0x0] =	sbarrier.arrive $0xFFFF  }
0x87: {  	[tilespmem:s21], [sflag:$0x1] =	stream.indirect.gather [spmem:s3], $0x80, s14, s24, $0xb8;
	[tilespmem:$0x12200] =	vst v63  }
0x88: {  	_ = 	snop  }
0x89: {  	[tilespmem:s19], [sflag:$0x1] =	stream.indirect.gather [spmem:s3], $0x80, s15, s24, $0xb8;
	[tilespmem:$0x12200] =	vst v63  }
0x8a: {  	s8 =	smov.u32 s9  }
0x8b: {  	[tilespmem:s12], [sflag:$0x1] =	stream.indirect.gather [spmem:s3], $0x80, s16, s24, $0xb8;
	[tilespmem:$0x12200] =	vst v63  }
0x8c: {  	s9 =	smov.u32 s10;
	s10 =	smov.u32 s11;
	s11 =	simm.s32 $0x10200  }
0x8d: {  	[tilespmem:s11], [sflag:$0x1] =	stream.indirect.gather [spmem:s3], $0x80, s17, s20, $0xb8;
	[tilespmem:$0x12200] =	vst v63  }
0x8e: {  	_ =	swait.ge [sflag:s28], $0x2000  }
0x8f: {  	[sflag:s28] =	ssyncset.done $0x0  }
0x90: {  	[sflag:s28] =	ssyncadd.s32 $0xFFFFE000  }
0x91: {  	[hbm4b:s10+s2] =	stream.linear.scatter [tilespmem:s18], [sflag:$0x2], $0x2000, $0x38;
	[tilespmem:$0x12200] =	vst v63  }
0x92: {  	_ =	swait.ge [sflag:s13], $0x4000  }
0x93: {  	[sflag:s13] =	ssyncset.done $0x0  }
0x94: {  	[sflag:s13] =	ssyncadd.s32 $0xFFFFC000  }
0x95: {  	[hbm4b:s9+s2] =	stream.linear.scatter [tilespmem:s21], [sflag:$0x2], $0x4000, $0x38;
	[tilespmem:$0x12200] =	vst v63  }
0x96: {  	_ =	swait.ge [sflag:s13], $0x4000  }
0x97: {  	[sflag:s13] =	ssyncset.done $0x0  }
0x98: {  	[sflag:s13] =	ssyncadd.s32 $0xFFFFC000  }
0x99: {  	[hbm4b:s8+s2] =	stream.linear.scatter [tilespmem:s19], [sflag:$0x2], $0x4000, $0x38;
	[tilespmem:$0x12200] =	vst v63  }
0x9a: {  	_ =	swait.ge [sflag:s13], $0x4000  }
0x9b: {  	[sflag:s13] =	ssyncset.done $0x0  }
0x9c: {  	[sflag:s13] =	ssyncadd.s32 $0xFFFFC000  }
0x9d: {  	[hbm4b:s6+s2] =	stream.linear.scatter [tilespmem:s12], [sflag:$0x2], $0x4000, $0x38;
	[tilespmem:$0x12200] =	vst v63  }
0x9e: {  	_ =	swait.ge [sflag:s13], $0x2000  }
0x9f: {  	[sflag:s13] =	ssyncset.done $0x0  }
0xa0: {  	[sflag:s13] =	ssyncadd.s32 $0xFFFFE000  }
0xa1: {  	[hbm4b:s5+s2] =	stream.linear.scatter [tilespmem:s11], [sflag:$0x2], $0x2000, $0x38;
	[tilespmem:$0x12200] =	vst v63  }
0xa2: {  	_ =	swait.ge [sflag:s4], $0x2000  }
0xa3: {  	[sflag:s4] =	ssyncset.done $0x0  }
0xa4: {  	[sflag:s4] =	ssyncadd.s32 $0xFFFFE000  }
0xa5: {  	_ =	swait.ge [sflag:s4], $0x4000  }
0xa6: {  	[sflag:s4] =	ssyncset.done $0x0  }
0xa7: {  	[sflag:s4] =	ssyncadd.s32 $0xFFFFC000  }
0xa8: {  	_ =	swait.ge [sflag:s4], $0x4000  }
0xa9: {  	[sflag:s4] =	ssyncset.done $0x0  }
0xaa: {  	p1 =	sne.s32 s0, $0x1;
	[sflag:s4] =	ssyncadd.s32 $0xFFFFC000  }
.Ltmp2:
0xab: {  	_ =	swait.ge [sflag:s4], $0x4000;
	(pc) =	sbr.rel @p1 .LBB2_2-.Ltmp2, $4  }
0xac: {  	[sflag:s4] =	ssyncset.done $0x0  }
0xad: {  	[sflag:s4] =	ssyncadd.s32 $0xFFFFC000  }
0xae: {  	_ =	swait.ge [sflag:s4], $0x2000  }
0xaf: {  	s0 =	sadd.s32 $0xFFFFFFFF, s0;
	s1 =	rddreg [dreg:$0x5];
	[sflag:s4] =	ssyncset.done $0x0  }
.LBB2_3:
0xb0: {  	[sflag:s4] =	ssyncadd.s32 @p0 $0xFFFFE000  }
0xb1: {  	[tilespmem:s29], [sflag:$0x4] =	stream.linear.gather [hbm4b:s1+s2], $0x40, $0x38;
	[tilespmem:$0x12200] =	vst v63  }
0xb2: {  	s0 =	rddreg [dreg:$0x6]  }
0xb3: {  	[tilespmem:s14], [sflag:$0x2] =	stream.linear.gather [hbm4b:s0+s2], $0x80, $0x38;
	[tilespmem:$0x12200] =	vst v63  }
0xb4: {  	s1 =	rddreg [dreg:$0x7]  }
0xb5: {  	[tilespmem:s15], [sflag:$0x2] =	stream.linear.gather [hbm4b:s1+s2], $0x80, $0x38;
	[tilespmem:$0x12200] =	vst v63  }
0xb6: {  	s0 =	rddreg [dreg:$0x8]  }
0xb7: {  	[tilespmem:s16], [sflag:$0x2] =	stream.linear.gather [hbm4b:s0+s2], $0x80, $0x38;
	[tilespmem:$0x12200] =	vst v63  }
0xb8: {  	_ = 	snop  }
0xb9: {  	[tilespmem:s17], [sflag:$0x2] =	stream.linear.gather [hbm4b:s22+s2], $0x40, $0x38;
	[tilespmem:$0x12200] =	vst v63  }
0xba: {  	[spmem:s31], [sflag:s25] =	dma.local [hbm:s23], $0x400  }
0xbb: {  	_ =	swait.ge [sflag:s30], $0x40  }
0xbc: {  	[sflag:s30] =	ssyncset.done $0x0  }
0xbd: {  	[sflag:s30] =	ssyncadd.s32 $0xFFFFFFC0  }
0xbe: {  	[tilespmem:s18], [sflag:$0x5] =	stream.indirect.gather [hbm4b:s7+s20], $0x80, s29, s20, $0xb8;
	[tilespmem:$0x12200] =	vst v63  }
0xbf: {  	_ =	swait.ge [sflag:s4], $0x80  }
0xc0: {  	[sflag:s4] =	ssyncset.done $0x0  }
0xc1: {  	[sflag:s4] =	ssyncadd.s32 $0xFFFFFF80  }
0xc2: {  	_ =	swait.ge [sflag:s4], $0x80  }
0xc3: {  	[sflag:s4] =	ssyncset.done $0x0  }
0xc4: {  	[sflag:s4] =	ssyncadd.s32 $0xFFFFFF80  }
0xc5: {  	_ =	swait.ge [sflag:s4], $0x80  }
0xc6: {  	[sflag:s4] =	ssyncset.done $0x0  }
0xc7: {  	[sflag:s4] =	ssyncadd.s32 $0xFFFFFF80  }
0xc8: {  	_ =	swait.ge [sflag:s4], $0x40  }
0xc9: {  	[sflag:s4] =	ssyncset.done $0x0  }
0xca: {  	[sflag:s4] =	ssyncadd.s32 $0xFFFFFFC0  }
0xcb: {  	_ =	swait.ge [sflag:s26], $0x400  }
0xcc: {  	[sflag:s26] =	ssyncset.done $0x0  }
0xcd: {  	[sflag:s26] =	ssyncadd.s32 $0xFFFFFC00  }
0xce: {  	[bflag:$0x0] =	sbarrier.arrive $0xFFFF  }
0xcf: {  	[tilespmem:s21], [sflag:$0x1] =	stream.indirect.gather [spmem:s3], $0x80, s14, s24, $0xb8;
	[tilespmem:$0x12200] =	vst v63  }
0xd0: {  	_ = 	snop  }
0xd1: {  	[tilespmem:s19], [sflag:$0x1] =	stream.indirect.gather [spmem:s3], $0x80, s15, s24, $0xb8;
	[tilespmem:$0x12200] =	vst v63  }
0xd2: {  	_ = 	snop  }
0xd3: {  	[tilespmem:s12], [sflag:$0x1] =	stream.indirect.gather [spmem:s3], $0x80, s16, s24, $0xb8;
	[tilespmem:$0x12200] =	vst v63  }
0xd4: {  	_ = 	snop  }
0xd5: {  	[tilespmem:s11], [sflag:$0x1] =	stream.indirect.gather [spmem:s3], $0x80, s17, s20, $0xb8;
	[tilespmem:$0x12200] =	vst v63  }
0xd6: {  	_ =	swait.ge [sflag:s28], $0x2000  }
0xd7: {  	[sflag:s28] =	ssyncset.done $0x0  }
0xd8: {  	[sflag:s28] =	ssyncadd.s32 $0xFFFFE000  }
0xd9: {  	[hbm4b:s10+s2] =	stream.linear.scatter [tilespmem:s18], [sflag:$0x2], $0x2000, $0x38;
	[tilespmem:$0x12200] =	vst v63  }
0xda: {  	_ =	swait.ge [sflag:s13], $0x4000  }
0xdb: {  	[sflag:s13] =	ssyncset.done $0x0  }
0xdc: {  	[sflag:s13] =	ssyncadd.s32 $0xFFFFC000  }
0xdd: {  	[hbm4b:s9+s2] =	stream.linear.scatter [tilespmem:s21], [sflag:$0x2], $0x4000, $0x38;
	[tilespmem:$0x12200] =	vst v63  }
0xde: {  	_ =	swait.ge [sflag:s13], $0x4000  }
0xdf: {  	[sflag:s13] =	ssyncset.done $0x0  }
0xe0: {  	[sflag:s13] =	ssyncadd.s32 $0xFFFFC000  }
0xe1: {  	[hbm4b:s8+s2] =	stream.linear.scatter [tilespmem:s19], [sflag:$0x2], $0x4000, $0x38;
	[tilespmem:$0x12200] =	vst v63  }
0xe2: {  	_ =	swait.ge [sflag:s13], $0x4000  }
0xe3: {  	[sflag:s13] =	ssyncset.done $0x0  }
0xe4: {  	[sflag:s13] =	ssyncadd.s32 $0xFFFFC000  }
0xe5: {  	[hbm4b:s6+s2] =	stream.linear.scatter [tilespmem:s12], [sflag:$0x2], $0x4000, $0x38;
	[tilespmem:$0x12200] =	vst v63  }
0xe6: {  	_ =	swait.ge [sflag:s13], $0x2000  }
0xe7: {  	[sflag:s13] =	ssyncset.done $0x0  }
0xe8: {  	[sflag:s13] =	ssyncadd.s32 $0xFFFFE000  }
0xe9: {  	[hbm4b:s5+s2] =	stream.linear.scatter [tilespmem:s11], [sflag:$0x2], $0x2000, $0x38;
	[tilespmem:$0x12200] =	vst v63  }
0xea: {  	_ =	swait.ge [sflag:s4], $0x2000  }
0xeb: {  	[sflag:s4] =	ssyncset.done $0x0  }
0xec: {  	[sflag:s4] =	ssyncadd.s32 $0xFFFFE000  }
0xed: {  	_ =	swait.ge [sflag:s4], $0x4000  }
0xee: {  	[sflag:s4] =	ssyncset.done $0x0  }
0xef: {  	[sflag:s4] =	ssyncadd.s32 $0xFFFFC000  }
0xf0: {  	_ =	swait.ge [sflag:s4], $0x4000  }
0xf1: {  	[sflag:s4] =	ssyncset.done $0x0  }
0xf2: {  	[sflag:s4] =	ssyncadd.s32 $0xFFFFC000  }
0xf3: {  	_ =	swait.ge [sflag:s4], $0x4000  }
0xf4: {  	[sflag:s4] =	ssyncset.done $0x0  }
0xf5: {  	[sflag:s4] =	ssyncadd.s32 $0xFFFFC000  }
0xf6: {  	_ =	swait.ge [sflag:s4], $0x2000  }
0xf7: {  	[sflag:s4] =	ssyncset.done $0x0  }
0xf8: {  	[sflag:s4] =	ssyncadd.s32 $0xFFFFE000  }
0xf9: {  	_ =	sfence.sel $0x180000  }
0xfa: {  	[bflag:$0x0] =	sbarrier.arrive $0xFFFF  }
0xfb: {  	_ =	strace $0x90000047  }
0xfc: {  	s31 =	stileid.u32;
	[bflag:$0x2] =	sbarrier.arrive $0xFFFF  }
0xfd: {  	p0 =	sne.s32 s31, $0x0;
	s0 =	rddreg [dreg:$0x4]  }
0xfe: {  	s0 =	sadd.s32 @!p0 $0x100000, s0  }
0xff: {  	[sflag:s0] =	ssyncadd.tile.s32 @!p0 $0x1;
	_ =	shalt  }
.Lfunc_end2:
_tile_overlayer_lowered:
.L_overlay_start_2:
0x100: {  	(tag) =	ssettag $0x2  }
0x101: {  	s0 =	rddreg [dreg:$0x0];
	s2 =	stileid.u32  }
0x102: {  	s1 =	rddreg [dreg:$0x1];
	p0 =	sne.s32 s2, $0x0  }
0x103: {  	s3 =	rddreg [dreg:$0x2];
	[bflag:$0x3] =	sbarrier.arrive $0xFFFF;
	s2 =	simm.s32 @!p0 $0x1C06  }
0x104: {  	[timem:s3], [sflag:s2] =	dma.local @!p0 [hbm:s0], s1  }
0x105: {  	s0 =	simm.s32 @!p0 $0x6  }
0x106: {  	_ =	swait.ge @!p0 [sflag:s0], s1  }
0x107: {  	s1 =	ssub.s32 @!p0 $0x0, s1;
	[sflag:s0] =	ssyncset.done @!p0 $0x0  }
0x108: {  	[sflag:s0] =	ssyncadd.s32 @!p0 s1  }
0x109: {  	[bflag:$0x3] =	sbarrier.arrive $0xFFFF  }
0x10a: {  	_ =	shalt  }

</sc_bundles>
